<compile_context>
chip_gen: v7x
topology: tpu7x:2x2x1
jax: 0.10.2.dev20260603
libtpu: 0.0.44.dev20260713+nightly
codegen_flags: <defaults>
</compile_context>

<pallas_src>
import functools

import jax
import jax.numpy as jnp
from jax import lax
from jax.experimental import pallas as pl
from jax.experimental.pallas import tpu as pltpu
from jax.experimental.pallas import tpu_sc as plsc

B = 16384
D = 16
_NC = 2
_NS = 16
_NW = _NC * _NS
_BPW = B // _NW

_sc_mesh = plsc.VectorSubcoreMesh(core_axis_name="c", subcore_axis_name="s")


@functools.partial(
    pl.kernel,
    mesh=_sc_mesh,
    compiler_params=pltpu.CompilerParams(use_tc_tiling_on_sc=False),
    out_type=[
        jax.ShapeDtypeStruct((B, D), jnp.float32),
        jax.ShapeDtypeStruct((B, D), jnp.float32),
    ],
    scratch_types=[
        pltpu.VMEM((_BPW,), jnp.int32),
        pltpu.VMEM((_BPW,), jnp.int32),
        pltpu.VMEM((_BPW, D), jnp.float32),
        pltpu.VMEM((_BPW, D), jnp.float32),
        pltpu.SemaphoreType.DMA,
    ],
)
def _sc_gather(w_hbm, g0_hbm, g1_hbm, u_hbm, v_hbm, g0_v, g1_v, r0_v, r1_v,
               sem):
    wid = lax.axis_index("s") * _NC + lax.axis_index("c")
    base = wid * _BPW
    pltpu.sync_copy(g0_hbm.at[pl.ds(base, _BPW)], g0_v)
    pltpu.sync_copy(g1_hbm.at[pl.ds(base, _BPW)], g1_v)
    c0 = pltpu.async_copy(w_hbm.at[g0_v], r0_v, sem)
    c1 = pltpu.async_copy(w_hbm.at[g1_v], r1_v, sem)
    c0.wait()
    c1.wait()
    pltpu.sync_copy(r0_v, u_hbm.at[pl.ds(base, _BPW)])
    pltpu.sync_copy(r1_v, v_hbm.at[pl.ds(base, _BPW)])


_R = B // 8


def _tc_body(u_ref, v_ref, val_ref, out_ref, *, pairs):
    u = u_ref[...]
    v = v_ref[...]
    du = u - v
    lane = lax.broadcasted_iota(jnp.int32, (128, 8), 0)
    grp = lax.broadcasted_iota(jnp.int32, (128, 8), 1)
    m = ((lane >> 4) == grp).astype(jnp.float32)
    z = lax.dot(du * du, m, preferred_element_type=jnp.float32)
    su = lax.dot(u * u, m, preferred_element_type=jnp.float32)
    sv = lax.dot(v * v, m, preferred_element_type=jnp.float32)
    uu = 1.0 + 2.0 * z / ((1.0 - su) * (1.0 - sv))
    dist = jnp.log(uu + jnp.sqrt(uu * uu - 1.0))
    r = dist - val_ref[...]
    out_ref[0, 0] = jnp.sum(r * r) / pairs


def kernel(idx, values, w):
    n = w.shape[0]
    pairs = n * (n - 1) / 2.0
    idx32 = idx.astype(jnp.int32)
    u, v = _sc_gather(w, idx32[:, 0], idx32[:, 1])
    loss = pl.pallas_call(
        functools.partial(_tc_body, pairs=pairs),
        out_shape=jax.ShapeDtypeStruct((1, 1), jnp.float32),
        in_specs=[
            pl.BlockSpec((_R, 128), lambda: (0, 0)),
            pl.BlockSpec((_R, 128), lambda: (0, 0)),
            pl.BlockSpec((_R, 8), lambda: (0, 0)),
        ],
        out_specs=pl.BlockSpec((1, 1), lambda: (0, 0),
                               memory_space=pltpu.SMEM),
    )(u.reshape(_R, 128), v.reshape(_R, 128), values.reshape(_R, 8))
    return loss[0, 0]

# --- scband reference (transcript-rebuilt; emitter-appended) ---
"""Pipeline reference for scband-hyperbolic-emb-85701777425007 (READ-ONLY COPY).

The authoritative reference and input builder live on the scoring server;
editing this copy changes nothing except your own understanding.
"""

import jax, jax.numpy as jnp
import numpy as np

N = 1000000
D = 16
B = 16384


def h_proj(x, eps=1e-05):
    norms = jnp.linalg.norm(x, axis=-1)
    modified = jnp.where(norms < 1.0, 1.0, 1.0 / ((1 + eps) * norms))
    return x * modified[..., None]


def acosh(x):
    return jnp.log(x + jnp.sqrt(x ** 2 - 1))


def hyp_dist(u, v):
    # torch: z = 2 * ||u - v||_2^2 (norm over dim 1, then squared)
    z = 2.0 * jnp.sum((u - v) ** 2, axis=1)
    uu = 1.0 + z / ((1.0 - jnp.sum(u ** 2, axis=1)) * (1.0 - jnp.sum(v ** 2, axis=1)))
    return acosh(uu)


def setup_inputs(seed: int = 0) -> dict:
    key = jax.random.key(seed)
    k1, k2, k3, k4 = jax.random.split(key, 4)
    # learned hyperbolic embedding table, initialized like the torch module:
    # h_proj(0.001 * rand(n, d))
    w = h_proj(0.001 * jax.random.uniform(k1, (N, D), dtype=jnp.float32))
    # pair indices; ensure i != j so dist > 0 (acosh well-defined away from 1)
    col0 = jax.random.randint(k2, (B,), 0, N)
    off = jax.random.randint(k3, (B,), 1, N)
    col1 = (col0 + off) % N
    idx = jnp.stack([col0, col1], axis=1).astype(jnp.int64)
    values = jax.random.uniform(k4, (B,), dtype=jnp.float32)
    return {"idx": idx, "values": values, "w": w}


def reference(idx, values, w):
    n = w.shape[0]
    pairs = n * (n - 1) / 2.0
    wi = jnp.take(w, idx[:, 0], axis=0)
    wj = jnp.take(w, idx[:, 1], axis=0)
    return jnp.sum((hyp_dist(wi, wj) - values) ** 2) / pairs

if __name__ == "__main__":
    import jax
    _d = setup_inputs()
    print(jax.jit(kernel)(*tuple(_d.values())))

</pallas_src>

<mosaic_0001>
#map = affine_map<(d0, d1) -> (0, 0)>
#map1 = affine_map<(d0, d1) -> (0)>
module attributes {stable_mosaic.version = 14 : i64} {
  func.func @_sc_gather(%arg0: i32, %arg1: i32, %arg2: memref<1000000x16xf32, #tpu.memory_space<hbm>>, %arg3: memref<16384xi32, #tpu.memory_space<hbm>>, %arg4: memref<16384xi32, #tpu.memory_space<hbm>>, %arg5: memref<16384x16xf32, #tpu.memory_space<hbm>>, %arg6: memref<16384x16xf32, #tpu.memory_space<hbm>>, %arg7: memref<512xi32, #tpu.memory_space<vmem>>, %arg8: memref<512xi32, #tpu.memory_space<vmem>>, %arg9: memref<512x16xf32, #tpu.memory_space<vmem>>, %arg10: memref<512x16xf32, #tpu.memory_space<vmem>>, %arg11: memref<!tpu.dma_semaphore, #tpu.memory_space<semaphore_mem>>) attributes {dimension_semantics = [#tpu.dimension_semantics<core_parallel>, #tpu.dimension_semantics<subcore_parallel>], iteration_bounds = array<i64: 2, 16>, scalar_prefetch = 0 : i64, scratch_operands = 5 : i64, tpu.core_type = #tpu.core_type<sc_vector_subcore>, window_params = [{transform_indices = #map}, {transform_indices = #map1}, {transform_indices = #map1}, {transform_indices = #map}, {transform_indices = #map}]} {
    %mul3A = arith.constant 2 : i32
    %mul3A_0 = arith.muli %arg1, %mul3A : i32
    %add3A = arith.addi %mul3A_0, %arg0 : i32
    %mul3A_1 = arith.constant 512 : i32
    %mul3A_2 = arith.muli %add3A, %mul3A_1 : i32
    "tpu.region"() ({
      %run_scoped3A = tpu.sem_alloc : memref<!tpu.dma_semaphore, #tpu.memory_space<semaphore_mem>>
      %dma_start3A_13 = tpu.memref_slice %arg3[%mul3A_2] : memref<16384xi32, #tpu.memory_space<hbm>> -> memref<512xi32, #tpu.memory_space<hbm>>
      %dma_start3A_14 = tpu.memref_slice %arg3[%mul3A_2] : memref<16384xi32, #tpu.memory_space<hbm>> -> memref<512xi32, #tpu.memory_space<hbm>>
      tpu.enqueue_dma source(%dma_start3A_14 : memref<512xi32, #tpu.memory_space<hbm>>) target(%arg7 : memref<512xi32, #tpu.memory_space<vmem>>) target_semaphore(%run_scoped3A : memref<!tpu.dma_semaphore, #tpu.memory_space<semaphore_mem>>)
      %dma_wait3A_15 = tpu.memref_slice %arg3[%mul3A_2] : memref<16384xi32, #tpu.memory_space<hbm>> -> memref<512xi32, #tpu.memory_space<hbm>>
      %dma_wait3A_16 = tpu.memref_slice %arg3[%mul3A_2] : memref<16384xi32, #tpu.memory_space<hbm>> -> memref<512xi32, #tpu.memory_space<hbm>>
      tpu.wait_dma2 semaphore(%run_scoped3A : memref<!tpu.dma_semaphore, #tpu.memory_space<semaphore_mem>>) src(%dma_wait3A_16 : memref<512xi32, #tpu.memory_space<hbm>>) dst(%arg7 : memref<512xi32, #tpu.memory_space<vmem>>)
      tpu.yield
    }) : () -> ()
    "tpu.region"() ({
      %run_scoped3A = tpu.sem_alloc : memref<!tpu.dma_semaphore, #tpu.memory_space<semaphore_mem>>
      %dma_start3A_13 = tpu.memref_slice %arg4[%mul3A_2] : memref<16384xi32, #tpu.memory_space<hbm>> -> memref<512xi32, #tpu.memory_space<hbm>>
      %dma_start3A_14 = tpu.memref_slice %arg4[%mul3A_2] : memref<16384xi32, #tpu.memory_space<hbm>> -> memref<512xi32, #tpu.memory_space<hbm>>
      tpu.enqueue_dma source(%dma_start3A_14 : memref<512xi32, #tpu.memory_space<hbm>>) target(%arg8 : memref<512xi32, #tpu.memory_space<vmem>>) target_semaphore(%run_scoped3A : memref<!tpu.dma_semaphore, #tpu.memory_space<semaphore_mem>>)
      %dma_wait3A_15 = tpu.memref_slice %arg4[%mul3A_2] : memref<16384xi32, #tpu.memory_space<hbm>> -> memref<512xi32, #tpu.memory_space<hbm>>
      %dma_wait3A_16 = tpu.memref_slice %arg4[%mul3A_2] : memref<16384xi32, #tpu.memory_space<hbm>> -> memref<512xi32, #tpu.memory_space<hbm>>
      tpu.wait_dma2 semaphore(%run_scoped3A : memref<!tpu.dma_semaphore, #tpu.memory_space<semaphore_mem>>) src(%dma_wait3A_16 : memref<512xi32, #tpu.memory_space<hbm>>) dst(%arg8 : memref<512xi32, #tpu.memory_space<vmem>>)
      tpu.yield
    }) : () -> ()
    %dma_start3A = arith.constant 0 : i32
    %dma_start3A_3 = arith.constant 0 : i32
    %dma_start3A_4 = tpu.memref_slice %arg2[%dma_start3A, %dma_start3A_3] : memref<1000000x16xf32, #tpu.memory_space<hbm>> -> memref<1000000x16xf32, #tpu.memory_space<hbm>>
    tpu.enqueue_indirect_dma source(%dma_start3A_4 : memref<1000000x16xf32, #tpu.memory_space<hbm>>) target(%arg9 : memref<512x16xf32, #tpu.memory_space<vmem>>) offsets(%arg7 : memref<512xi32, #tpu.memory_space<vmem>>) semaphore(%arg11 : memref<!tpu.dma_semaphore, #tpu.memory_space<semaphore_mem>>)
    %dma_start3A_5 = arith.constant 0 : i32
    %dma_start3A_6 = arith.constant 0 : i32
    %dma_start3A_7 = tpu.memref_slice %arg2[%dma_start3A_5, %dma_start3A_6] : memref<1000000x16xf32, #tpu.memory_space<hbm>> -> memref<1000000x16xf32, #tpu.memory_space<hbm>>
    tpu.enqueue_indirect_dma source(%dma_start3A_7 : memref<1000000x16xf32, #tpu.memory_space<hbm>>) target(%arg10 : memref<512x16xf32, #tpu.memory_space<vmem>>) offsets(%arg8 : memref<512xi32, #tpu.memory_space<vmem>>) semaphore(%arg11 : memref<!tpu.dma_semaphore, #tpu.memory_space<semaphore_mem>>)
    %dma_wait3A = arith.constant 0 : i32
    %dma_wait3A_8 = arith.constant 0 : i32
    %dma_wait3A_9 = tpu.memref_slice %arg2[%dma_wait3A, %dma_wait3A_8] : memref<1000000x16xf32, #tpu.memory_space<hbm>> -> memref<1000000x16xf32, #tpu.memory_space<hbm>>
    tpu.wait_indirect_dma semaphore(%arg11 : memref<!tpu.dma_semaphore, #tpu.memory_space<semaphore_mem>>) src(%dma_wait3A_9 : memref<1000000x16xf32, #tpu.memory_space<hbm>>) dst(%arg9 : memref<512x16xf32, #tpu.memory_space<vmem>>)
    %dma_wait3A_10 = arith.constant 0 : i32
    %dma_wait3A_11 = arith.constant 0 : i32
    %dma_wait3A_12 = tpu.memref_slice %arg2[%dma_wait3A_10, %dma_wait3A_11] : memref<1000000x16xf32, #tpu.memory_space<hbm>> -> memref<1000000x16xf32, #tpu.memory_space<hbm>>
    tpu.wait_indirect_dma semaphore(%arg11 : memref<!tpu.dma_semaphore, #tpu.memory_space<semaphore_mem>>) src(%dma_wait3A_12 : memref<1000000x16xf32, #tpu.memory_space<hbm>>) dst(%arg10 : memref<512x16xf32, #tpu.memory_space<vmem>>)
    "tpu.region"() ({
      %run_scoped3A = tpu.sem_alloc : memref<!tpu.dma_semaphore, #tpu.memory_space<semaphore_mem>>
      %dma_start3A_13 = arith.constant 0 : i32
      %dma_start3A_14 = tpu.memref_slice %arg5[%mul3A_2, %dma_start3A_13] : memref<16384x16xf32, #tpu.memory_space<hbm>> -> memref<512x16xf32, #tpu.memory_space<hbm>>
      %dma_start3A_15 = arith.constant 0 : i32
      %dma_start3A_16 = tpu.memref_slice %arg5[%mul3A_2, %dma_start3A_15] : memref<16384x16xf32, #tpu.memory_space<hbm>> -> memref<512x16xf32, #tpu.memory_space<hbm>>
      tpu.enqueue_dma source(%arg9 : memref<512x16xf32, #tpu.memory_space<vmem>>) target(%dma_start3A_16 : memref<512x16xf32, #tpu.memory_space<hbm>>) target_semaphore(%run_scoped3A : memref<!tpu.dma_semaphore, #tpu.memory_space<semaphore_mem>>)
      %dma_wait3A_17 = arith.constant 0 : i32
      %dma_wait3A_18 = tpu.memref_slice %arg5[%mul3A_2, %dma_wait3A_17] : memref<16384x16xf32, #tpu.memory_space<hbm>> -> memref<512x16xf32, #tpu.memory_space<hbm>>
      %dma_wait3A_19 = arith.constant 0 : i32
      %dma_wait3A_20 = tpu.memref_slice %arg5[%mul3A_2, %dma_wait3A_19] : memref<16384x16xf32, #tpu.memory_space<hbm>> -> memref<512x16xf32, #tpu.memory_space<hbm>>
      tpu.wait_dma2 semaphore(%run_scoped3A : memref<!tpu.dma_semaphore, #tpu.memory_space<semaphore_mem>>) src(%arg9 : memref<512x16xf32, #tpu.memory_space<vmem>>) dst(%dma_wait3A_20 : memref<512x16xf32, #tpu.memory_space<hbm>>)
      tpu.yield
    }) : () -> ()
    "tpu.region"() ({
      %run_scoped3A = tpu.sem_alloc : memref<!tpu.dma_semaphore, #tpu.memory_space<semaphore_mem>>
      %dma_start3A_13 = arith.constant 0 : i32
      %dma_start3A_14 = tpu.memref_slice %arg6[%mul3A_2, %dma_start3A_13] : memref<16384x16xf32, #tpu.memory_space<hbm>> -> memref<512x16xf32, #tpu.memory_space<hbm>>
      %dma_start3A_15 = arith.constant 0 : i32
      %dma_start3A_16 = tpu.memref_slice %arg6[%mul3A_2, %dma_start3A_15] : memref<16384x16xf32, #tpu.memory_space<hbm>> -> memref<512x16xf32, #tpu.memory_space<hbm>>
      tpu.enqueue_dma source(%arg10 : memref<512x16xf32, #tpu.memory_space<vmem>>) target(%dma_start3A_16 : memref<512x16xf32, #tpu.memory_space<hbm>>) target_semaphore(%run_scoped3A : memref<!tpu.dma_semaphore, #tpu.memory_space<semaphore_mem>>)
      %dma_wait3A_17 = arith.constant 0 : i32
      %dma_wait3A_18 = tpu.memref_slice %arg6[%mul3A_2, %dma_wait3A_17] : memref<16384x16xf32, #tpu.memory_space<hbm>> -> memref<512x16xf32, #tpu.memory_space<hbm>>
      %dma_wait3A_19 = arith.constant 0 : i32
      %dma_wait3A_20 = tpu.memref_slice %arg6[%mul3A_2, %dma_wait3A_19] : memref<16384x16xf32, #tpu.memory_space<hbm>> -> memref<512x16xf32, #tpu.memory_space<hbm>>
      tpu.wait_dma2 semaphore(%run_scoped3A : memref<!tpu.dma_semaphore, #tpu.memory_space<semaphore_mem>>) src(%arg10 : memref<512x16xf32, #tpu.memory_space<vmem>>) dst(%dma_wait3A_20 : memref<512x16xf32, #tpu.memory_space<hbm>>)
      tpu.yield
    }) : () -> ()
    return
  }
}

module attributes {stable_mosaic.version = 14 : i64} {
  func.func @_tc_body(%arg0: memref<2048x128xf32, #tpu.memory_space<vmem>>, %arg1: memref<2048x128xf32, #tpu.memory_space<vmem>>, %arg2: memref<2048x8xf32, #tpu.memory_space<vmem>>, %arg3: memref<1x1xf32, #tpu.memory_space<smem>>) attributes {dimension_semantics = [], scalar_prefetch = 0 : i64, scratch_operands = 0 : i64, tpu.core_type = #tpu.core_type<tc>} {
    %get3A = arith.constant 0 : index
    %get3A_0 = arith.constant 0 : index
    %get3A_1 = vector.load %arg0[%get3A, %get3A_0] : memref<2048x128xf32, #tpu.memory_space<vmem>>, vector<2048x128xf32>
    %get3A_2 = arith.constant 0 : index
    %get3A_3 = arith.constant 0 : index
    %get3A_4 = vector.load %arg1[%get3A_2, %get3A_3] : memref<2048x128xf32, #tpu.memory_space<vmem>>, vector<2048x128xf32>
    %sub3A = arith.subf %get3A_1, %get3A_4 : vector<2048x128xf32>
    %iota3A = tpu.iota {dimensions = array<i32: 0>} : vector<128x8xi32>
    %iota3A_5 = tpu.iota {dimensions = array<i32: 1>} : vector<128x8xi32>
    %shift_right_arithmetic3A = arith.constant 4 : i32
    %shift_right_arithmetic3A_6 = vector.broadcast %shift_right_arithmetic3A : i32 to vector<128x8xi32>
    %shift_right_arithmetic3A_7 = arith.shrsi %iota3A, %shift_right_arithmetic3A_6 : vector<128x8xi32>
    %eq3A = arith.cmpi eq, %shift_right_arithmetic3A_7, %iota3A_5 : vector<128x8xi32>
    %convert_element_type3A = arith.extui %eq3A : vector<128x8xi1> to vector<128x8xi32>
    %convert_element_type3A_8 = arith.sitofp %convert_element_type3A : vector<128x8xi32> to vector<128x8xf32>
    %mul3A = arith.mulf %sub3A, %sub3A : vector<2048x128xf32>
    %dot_general3A = arith.constant dense<0.000000e+00> : vector<2048x8xf32>
    %dot_general3A_9 = tpu.matmul %mul3A, %convert_element_type3A_8, %dot_general3A {dimension_numbers = #tpu.dot_dimension_numbers<[1], [0], [0], [1], [0, 0, 1, 1], [], []>, transpose_lhs_hint = false} : vector<2048x128xf32>, vector<128x8xf32>, vector<2048x8xf32> -> vector<2048x8xf32>
    %mul3A_10 = arith.mulf %get3A_1, %get3A_1 : vector<2048x128xf32>
    %dot_general3A_11 = arith.constant dense<0.000000e+00> : vector<2048x8xf32>
    %dot_general3A_12 = tpu.matmul %mul3A_10, %convert_element_type3A_8, %dot_general3A_11 {dimension_numbers = #tpu.dot_dimension_numbers<[1], [0], [0], [1], [0, 0, 1, 1], [], []>, transpose_lhs_hint = false} : vector<2048x128xf32>, vector<128x8xf32>, vector<2048x8xf32> -> vector<2048x8xf32>
    %mul3A_13 = arith.mulf %get3A_4, %get3A_4 : vector<2048x128xf32>
    %dot_general3A_14 = arith.constant dense<0.000000e+00> : vector<2048x8xf32>
    %dot_general3A_15 = tpu.matmul %mul3A_13, %convert_element_type3A_8, %dot_general3A_14 {dimension_numbers = #tpu.dot_dimension_numbers<[1], [0], [0], [1], [0, 0, 1, 1], [], []>, transpose_lhs_hint = false} : vector<2048x128xf32>, vector<128x8xf32>, vector<2048x8xf32> -> vector<2048x8xf32>
    %mul3A_16 = arith.constant 2.000000e+00 : f32
    %mul3A_17 = vector.broadcast %mul3A_16 : f32 to vector<2048x8xf32>
    %mul3A_18 = arith.mulf %mul3A_17, %dot_general3A_9 : vector<2048x8xf32>
    %sub3A_19 = arith.constant 1.000000e+00 : f32
    %sub3A_20 = vector.broadcast %sub3A_19 : f32 to vector<2048x8xf32>
    %sub3A_21 = arith.subf %sub3A_20, %dot_general3A_12 : vector<2048x8xf32>
    %sub3A_22 = arith.constant 1.000000e+00 : f32
    %sub3A_23 = vector.broadcast %sub3A_22 : f32 to vector<2048x8xf32>
    %sub3A_24 = arith.subf %sub3A_23, %dot_general3A_15 : vector<2048x8xf32>
    %mul3A_25 = arith.mulf %sub3A_21, %sub3A_24 : vector<2048x8xf32>
    %div3A = arith.divf %mul3A_18, %mul3A_25 : vector<2048x8xf32>
    %add3A = arith.constant 1.000000e+00 : f32
    %add3A_26 = vector.broadcast %add3A : f32 to vector<2048x8xf32>
    %add3A_27 = arith.addf %add3A_26, %div3A : vector<2048x8xf32>
    %mul3A_28 = arith.mulf %add3A_27, %add3A_27 : vector<2048x8xf32>
    %sub3A_29 = arith.constant 1.000000e+00 : f32
    %sub3A_30 = vector.broadcast %sub3A_29 : f32 to vector<2048x8xf32>
    %sub3A_31 = arith.subf %mul3A_28, %sub3A_30 : vector<2048x8xf32>
    %sqrt3A = math.sqrt %sub3A_31 : vector<2048x8xf32>
    %add3A_32 = arith.addf %add3A_27, %sqrt3A : vector<2048x8xf32>
    %log3A = math.log %add3A_32 : vector<2048x8xf32>
    %get3A_33 = arith.constant 0 : index
    %get3A_34 = arith.constant 0 : index
    %get3A_35 = vector.load %arg2[%get3A_33, %get3A_34] : memref<2048x8xf32, #tpu.memory_space<vmem>>, vector<2048x8xf32>
    %sub3A_36 = arith.subf %log3A, %get3A_35 : vector<2048x8xf32>
    %mul3A_37 = arith.mulf %sub3A_36, %sub3A_36 : vector<2048x8xf32>
    %reduce_sum3A = vector.shape_cast %mul3A_37 : vector<2048x8xf32> to vector<1x2048x8xf32>
    %reduce_sum3A_38 = arith.constant dense<0.000000e+00> : vector<1xf32>
    %reduce_sum3A_39 = vector.multi_reduction <add>, %reduce_sum3A, %reduce_sum3A_38 [1, 2] : vector<1x2048x8xf32> to vector<1xf32>
    %reduce_sum3A_40 = vector.shape_cast %reduce_sum3A_39 : vector<1xf32> to vector<1x1x1xf32>
    %reduce_sum3A_41 = vector.extract %reduce_sum3A_40[0, 0, 0] : f32 from vector<1x1x1xf32>
    %div3A_42 = arith.constant 4.99999506E+11 : f32
    %div3A_43 = arith.divf %reduce_sum3A_41, %div3A_42 : f32
    %swap3A = arith.constant 0 : index
    %swap3A_44 = arith.constant 0 : index
    %swap3A_45 = memref.load %arg3[%swap3A, %swap3A_44] : memref<1x1xf32, #tpu.memory_space<smem>>
    memref.store %div3A_43, %arg3[%swap3A, %swap3A_44] : memref<1x1xf32, #tpu.memory_space<smem>>
    return
  }
}

</mosaic_0001>

<sc_bundles>
// kernel: kernel.4.cloned.1.call-start
scs
__scs_entry_jumppad:
0x0: {  	(pc) =	sbr.rel $0x88, $3  }
0x1: {  	(tag) =	ssettag $0x0;
	lr =	simm.s32 $0x1  }
0x2: {  	[smem:$0x3F9E] =	sst lr;
	_ =	strace $0xD0000000  }
0x3: {  	_ = 	snop  }
0x4: {  	_ = 	snop  }
0x5: {  	_ = 	snop  }
0x6: {  	_ = 	snop  }
0x7: {  	_ = 	snop  }
__scs_overlays_trampoline_lowered:
0x8: {  	[smem:$0x3FAD] =	sst s0  }
0x9: {  	[smem:$0x3FAE] =	sst s1  }
0xa: {  	[smem:$0x3FAF] =	sst s2  }
0xb: {  	[smem:$0x3FB0] =	sst s3  }
0xc: {  	[smem:$0x3FB1] =	sst s4  }
0xd: {  	[smem:$0x3FB2] =	sst s5  }
0xe: {  	[smem:$0x3FB3] =	sst s6  }
0xf: {  	[smem:$0x3FB4] =	sst s7  }
0x10: {  	[smem:$0x3FB5] =	sst s8  }
0x11: {  	[smem:$0x3FB6] =	sst s9;
	s0 =	simm.s32 @!p0 $0x0  }
0x12: {  	s1 =	sld [smem:$0x3F9C];
	s0 =	simm.s32 @p0 $0x1  }
0x13: {  	[smem:$0x3FB7] =	sst s0;
	s0 =	simm.s32 @!p1 $0x0  }
0x14: {  	s2 =	sld [smem:$0x3F9B];
	s0 =	simm.s32 @p1 $0x1  }
0x15: {  	[smem:$0x3FB8] =	sst s0;
	s0 =	simm.s32 @!p2 $0x0  }
0x16: {  	s3 =	sld [smem:$0x3FDB];
	s0 =	simm.s32 @p2 $0x1  }
0x17: {  	s4 =	simm.s32 $0x1BF5;
	[smem:$0x3FBA] =	sst s0  }
0x18: {  	s0 =	sld [smem:$0x3F9D];
	_ =	swait.ge [sflag:s4], $0x0  }
0x19: {  	s7 =	sld [smem:$0x3F9E]  }
0x1a: {  	s8 =	sadd.s32 $0xFFFFE003, lr  }
0x1b: {  	s9 =	sadd.s32 $0xFFFFFEF7, lr;
	s5 =	simm.s32 $0xFFFFFFFF;
	p2 =	slt.u32 s8, $0xFFFFF086  }
0x1c: {  	p1 =	slt.u32 s9, $0xF7A;
	s5 =	simm.s32 @!p2 $0x0  }
0x1d: {  	s5 =	simm.s32 @p1 $0x1;
	p0 =	seq.s32 s7, s2  }
0x1e: {  	s7 =	smul.u32 @!p0 $0xF7A, s2;
	p2 =	seq.s32 @!p0 s5, $0x0  }
0x1f: {  	s9 =	smul.u32 $0xF7A, s1;
	s8 =	simm.s32 @!p0 $0x1BF5;
	p2 =	por !p2, p0  }
0x20: {  	[sflag:s8] =	ssyncset.s32 @!p0 $0xFFFFF086;
	s6 =	sadd.s32 @!p0 s3, s7;
	s7 =	simm.s32 @!p0 $0x108  }
0x21: {  	s3 =	sadd.s32 s3, s9;
	s6 =	sadd.s32 @!p0 $0x88, s6;
	s7 =	simm.s32 @p2 $0x1082  }
0x22: {  	[simem:s7], [sflag:s8] =	dma.local @!p0 [hbm:s6], $0xF7A  }
0x23: {  	s9 =	sor.u32 $0xD0000000, s2;
	s6 =	simm.s32 $0x108;
	_ =	swait.ge @!p0 [sflag:s8], $0x0  }
0x24: {  	s3 =	sadd.s32 $0x88, s3;
	s6 =	simm.s32 @!p1 $0x1082;
	[sflag:s4] =	ssyncset.s32 $0xFFFFF086  }
0x25: {  	[simem:s6], [sflag:s4] =	dma.local [hbm:s3], $0xF7A  }
0x26: {  	[smem:$0x3F9E] =	sst s1;
	(tag) =	ssettag s2;
	_ =	strace s9  }
0x27: {  	s1 =	sld [smem:$0x3FAE]  }
0x28: {  	s2 =	sld [smem:$0x3FAF]  }
0x29: {  	s4 =	sld [smem:$0x3FB1]  }
0x2a: {  	p0 =	seq.s32 s5, $0x0;
	s5 =	sld [smem:$0x3FB2]  }
0x2b: {  	s6 =	sld [smem:$0x3FB3]  }
0x2c: {  	s7 =	sld [smem:$0x3FB4]  }
0x2d: {  	s3 =	simm.s32 $0x108;
	s8 =	sld [smem:$0x3FB5]  }
0x2e: {  	s3 =	simm.s32 @!p0 $0x1082;
	s9 =	sld [smem:$0x3FB6]  }
0x2f: {  	lr =	sadd.s32 s0, s3;
	s0 =	sld [smem:$0x3FAD]  }
0x30: {  	s3 =	sld [smem:$0x3FB0]  }
0x31: {  	[smem:$0x3FB9] =	sst s10  }
0x32: {  	s10 =	sld [smem:$0x3FB7];
	_ =	sdelay $0x3  }
0x33: {  	p0 =	seq.s32 s10, $0x1;
	s10 =	sld [smem:$0x3FB9];
	_ =	sdelay $0x3  }
0x34: {  	[smem:$0x3FB9] =	sst s10  }
0x35: {  	s10 =	sld [smem:$0x3FB8];
	_ =	sdelay $0x3  }
0x36: {  	p1 =	seq.s32 s10, $0x1;
	s10 =	sld [smem:$0x3FB9];
	_ =	sdelay $0x3  }
0x37: {  	[smem:$0x3FB9] =	sst s10  }
0x38: {  	s10 =	sld [smem:$0x3FBA]  }
0x39: {  	_ = 	snop;
	(pc) =	sbr.ind lr, $3  }
0x3a: {  	_ = 	snop  }
0x3b: {  	_ = 	snop  }
0x3c: {  	p2 =	seq.s32 s10, $0x1;
	s10 =	sld [smem:$0x3FB9]  }
0x3d: {  	_ =	shalt  }
0x3e: {  	_ =	shalt  }
0x3f: {  	_ =	shalt  }
0x40: {  	_ =	shalt  }
0x41: {  	_ =	shalt  }
0x42: {  	_ =	shalt  }
0x43: {  	_ =	shalt  }
0x44: {  	_ =	shalt  }
0x45: {  	_ =	shalt  }
0x46: {  	_ =	shalt  }
0x47: {  	_ =	shalt  }
0x48: {  	_ =	shalt  }
0x49: {  	_ =	shalt  }
0x4a: {  	_ =	shalt  }
0x4b: {  	_ =	shalt  }
0x4c: {  	_ =	shalt  }
0x4d: {  	_ =	shalt  }
0x4e: {  	_ =	shalt  }
0x4f: {  	_ =	shalt  }
0x50: {  	_ =	shalt  }
0x51: {  	_ =	shalt  }
0x52: {  	_ =	shalt  }
0x53: {  	_ =	shalt  }
0x54: {  	_ =	shalt  }
0x55: {  	_ =	shalt  }
0x56: {  	_ =	shalt  }
0x57: {  	_ =	shalt  }
0x58: {  	_ =	shalt  }
0x59: {  	_ =	shalt  }
0x5a: {  	_ =	shalt  }
0x5b: {  	_ =	shalt  }
0x5c: {  	_ =	shalt  }
0x5d: {  	_ =	shalt  }
0x5e: {  	_ =	shalt  }
0x5f: {  	_ =	shalt  }
0x60: {  	_ =	shalt  }
0x61: {  	_ =	shalt  }
0x62: {  	_ =	shalt  }
0x63: {  	_ =	shalt  }
0x64: {  	_ =	shalt  }
0x65: {  	_ =	shalt  }
0x66: {  	_ =	shalt  }
0x67: {  	_ =	shalt  }
0x68: {  	_ =	shalt  }
0x69: {  	_ =	shalt  }
0x6a: {  	_ =	shalt  }
0x6b: {  	_ =	shalt  }
0x6c: {  	_ =	shalt  }
0x6d: {  	_ =	shalt  }
0x6e: {  	_ =	shalt  }
0x6f: {  	_ =	shalt  }
0x70: {  	_ =	shalt  }
0x71: {  	_ =	shalt  }
0x72: {  	_ =	shalt  }
0x73: {  	_ =	shalt  }
0x74: {  	_ =	shalt  }
0x75: {  	_ =	shalt  }
0x76: {  	_ =	shalt  }
0x77: {  	_ =	shalt  }
0x78: {  	_ =	shalt  }
0x79: {  	_ =	shalt  }
0x7a: {  	_ =	shalt  }
0x7b: {  	_ =	shalt  }
0x7c: {  	_ =	shalt  }
0x7d: {  	_ =	shalt  }
0x7e: {  	_ =	shalt  }
0x7f: {  	_ =	shalt  }
0x80: {  	_ =	shalt  }
0x81: {  	_ =	shalt  }
0x82: {  	_ =	shalt  }
0x83: {  	_ =	shalt  }
0x84: {  	_ =	shalt  }
0x85: {  	_ =	shalt  }
0x86: {  	_ =	shalt  }
0x87: {  	_ =	shalt  }
.Lfunc_end0:
.L_simem_size_0:
called_computation_lowered:
.L_overlay_start_0:
0x88: {  	s2 =	sld [smem:$0x3FD9]  }
0x89: {  	s3 =	sld [smem:$0x3FFE];
	_ =	sdelay $0x1  }
0x8a: {  	s1 =	srdreg.scid  }
0x8b: {  	s0 =	sand.u32 $0x1, s1  }
0x8c: {  	s16 =	sshll.u32 s0, $0xA;
	s2 =	sadd.s32 s3, s2  }
0x8d: {  	s2 =	sadd.s32 s2, s16  }
0x8e: {  	[smem:$0x3FC5] =	sst s2  }
0x8f: {  	_ = 	snop  }
0x90: {  	(tm) =	ssettm $0x1  }
0x91: {  	s17 =	sld [smem:$0x3FFB];
	_ =	sdelay $0x3  }
0x92: {  	_ =	strace s17  }
0x93: {  	s2 =	sld [smem:$0x3FFC];
	_ =	sdelay $0x3  }
0x94: {  	_ =	strace s2  }
0x95: {  	s2 =	sld [smem:$0x3FFD];
	_ =	sdelay $0x3  }
0x96: {  	_ =	strace s2  }
0x97: {  	_ =	strace $0x8FFFFFFF  }
0x98: {  	s18 =	sld [smem:$0x3FDB];
	_ =	sdelay $0x1  }
0x99: {  	s19 =	simm.s32 $_scs_section_size  }
0x9a: {  	s4 =	simm.s32 $_size__tile_overlayer_lowered;
	s5 =	simm.s32 $_tile_overlayer_lowered  }
0x9b: {  	s22 =	simm.s32 $0x1BFF;
	s21 =	sshll.u32 s5, $0x1;
	s2 =	sadd.s32 s19, s18  }
0x9c: {  	s6 =	simm.s32 $0x0;
	s20 =	sshll.u32 s4, $0x1;
	s4 =	sadd.s32 s21, s2  }
0x9d: {  	[timem:s6], [sflag:s22] =	dma.local [hbm:s4], s20  }
0x9e: {  	_ =	swait.ge [sflag:s22], s20  }
0x9f: {  	s3 =	ssub.s32 $0x0, s20;
	[sflag:s22] =	ssyncset.done $0x0  }
0xa0: {  	[sflag:s22] =	ssyncadd.s32 s3;
	_ =	sdelay $0x1  }
0xa1: {  	s23 =	simm.s32 $0x1B8B  }
0xa2: {  	_ =	swait.ge [sflag:s23], $0x1  }
0xa3: {  	[sflag:s23] =	ssyncset.done $0x0  }
0xa4: {  	s25 =	simm.s32 $0x1B8E;
	s24 =	sld [smem:$0x3FFE];
	[sflag:s23] =	ssyncadd.s32 $0xFFFFFFFF  }
0xa5: {  	s26 =	simm.s32 $execute0_lowered;
	[smem:$0x3FD2] =	sst s25  }
0xa6: {  	s4 =	sshll.u32 s26, $0x1;
	_ =	strace $0x80000046;
	[dreg:$0x1] =	wrdreg $0xFFFFFFFF  }
0xa7: {  	s28 =	simm.s32 $_size_execute0_lowered;
	s2 =	sadd.s32 s2, s4;
	[dreg:$0x0] =	wrdreg $0x0  }
0xa8: {  	s4 =	sshll.u32 s28, $0x1;
	[dreg:$0x2] =	wrdreg s2  }
0xa9: {  	[dreg:$0x3] =	wrdreg s4  }
0xaa: {  	[dreg:$0x4] =	wrdreg $0xC0  }
0xab: {  	_ =	task [dreg:s6], $0x5FFFF  }
0xac: {  	[dreg:$0x1] =	wrdreg $0xFFFFFFFF  }
0xad: {  	[dreg:$0x0] =	wrdreg $0x60  }
0xae: {  	[dreg:$0x2] =	wrdreg s24  }
0xaf: {  	[dreg:$0x3] =	wrdreg $0x9  }
0xb0: {  	_ =	task.clear_ibuf [dreg:s6], $0x4FFFF;
	_ =	strace $0x90000046  }
0xb1: {  	s29 =	simm.s32 $0x9;
	_ =	strace $0x80000048  }
0xb2: {  	_ =	swait.ge [sflag:s29], $0x1  }
0xb3: {  	[sflag:s29] =	ssyncadd.s32 $0xFFFFFFFF  }
0xb4: {  	_ =	strace $0x90000048  }
0xb5: {  	_ =	sfence  }
0xb6: {  	s30 =	sld [smem:$0x0];
	_ =	sdelay $0x2  }
0xb7: {  	s31 =	sshll.u32 s1, $0xD;
	s1 =	sshrl.u32 s1, $0x2  }
0xb8: {  	s3 =	sand.u32 $0x4000, s31;
	s1 =	sadd.s32 s1, s30  }
0xb9: {  	s0 =	sor.u32 s3, s0;
	s1 =	sshll.u32 s1, $0x11  }
0xba: {  	s0 =	sor.u32 s1, s0  }
0xbb: {  	s0 =	sadd.s32 $0x8F2B, s0  }
0xbc: {  	[sflag:s0] =	ssyncadd.remote.s32 $0x1  }
0xbd: {  	_ =	sfence.sel $0xFFFF  }
0xbe: {  	[dreg:$0x0] =	wrdreg $0xFFFFFFFF;
	(pc) =	sbr.abs _section_cstart, $3  }
0xbf: {  	[dreg:$0x1] =	wrdreg $0xFFFFFFFF  }
0xc0: {  	_ =	task.clear_ibuf [dreg:s6], $0x2FFFF;
	_ =	strace $0x9FFFFFFF  }
0xc1: {  	(tm) =	ssettm $0x7FFFFFFF  }
tec
execute0_lowered:
.L_overlay_start_1:
0x0: {  	(tag) =	ssettag $0x1  }
0x1: {  	s1 =	srdreg.scid  }
0x2: {  	s0 =	stileid.u32;
	s11 =	sand.u32 $0x1, s1  }
0x3: {  	s30 =	sshll.u32 s0, $0xA;
	s2 =	sshll.u32 s11, $0x9  }
0x4: {  	s12 =	rddreg [dreg:$0x0];
	s13 =	sor.u32 s2, s30  }
0x5: {  	s1 =	rddreg [dreg:$0x1];
	s2 =	simm.s32 $0x0;
	s3 =	sshrl.u32 s13, $0x3  }
0x6: {  	[smem:$0x7FF] =	sst s2;
	s5 =	sadd.s32 s3, s12  }
0x7: {  	_ =	strace $0x80000047;
	s3 =	simm.s32 $0x2;
	s4 =	sadd.s32 $0x1A00, s5  }
0x8: {  	[tilespmem:s2], [sflag:$0x2] =	stream.linear.gather [hbm4b:s4+s2], $0x200, $0x38;
	[tilespmem:$0x4400] =	vst v63  }
0x9: {  	_ =	swait.ge [sflag:s3], $0x200  }
0xa: {  	[sflag:s3] =	ssyncset.done $0x0  }
0xb: {  	s6 =	simm.s32 $0x200;
	s5 =	sadd.s32 $0x1200, s5;
	[sflag:s3] =	ssyncadd.s32 $0xFFFFFE00  }
0xc: {  	[tilespmem:s6], [sflag:$0x2] =	stream.linear.gather [hbm4b:s5+s2], $0x200, $0x38;
	[tilespmem:$0x4400] =	vst v63  }
0xd: {  	_ =	swait.ge [sflag:s3], $0x200  }
0xe: {  	[sflag:s3] =	ssyncset.done $0x0  }
0xf: {  	s8 =	simm.s32 $0x400;
	s7 =	sadd.s32 $0xF43600, s12;
	[sflag:s3] =	ssyncadd.s32 $0xFFFFFE00  }
0x10: {  	[tilespmem:s8], [sflag:$0x1] =	stream.indirect.gather [hbm4b:s7+s6], $0x10, s2, s6, $0xb8;
	[tilespmem:$0x4400] =	vst v63  }
0x11: {  	s9 =	simm.s32 $0x2400;
	s10 =	simm.s32 $0x1  }
0x12: {  	[tilespmem:s9], [sflag:$0x1] =	stream.indirect.gather [hbm4b:s7+s6], $0x10, s6, s6, $0xb8;
	[tilespmem:$0x4400] =	vst v63  }
0x13: {  	_ =	swait.ge [sflag:s10], $0x2000  }
0x14: {  	[sflag:s10] =	ssyncset.done $0x0  }
0x15: {  	s31 =	ssub.s32 $0x2, s11;
	[sflag:s10] =	ssyncadd.s32 $0xFFFFE000  }
0x16: {  	s14 =	sshrl.u32 s31, $0x1;
	s13 =	sshll.u32 s13, $0x1;
	_ =	swait.ge [sflag:s10], $0x2000  }
0x17: {  	s12 =	sadd.s32 s13, s12;
	s13 =	ssub.s32 s31, s14;
	[sflag:s10] =	ssyncset.done $0x0  }
0x18: {  	s11 =	sadd.s32 $0x2200, s12;
	s13 =	smax.u32 s13, $0x1;
	[sflag:s10] =	ssyncadd.s32 $0xFFFFE000  }
0x19: {  	[hbm4b:s11+s2] =	stream.linear.scatter [tilespmem:s8], [sflag:$0x2], $0x2000, $0x38;
	[tilespmem:$0x4400] =	vst v63  }
0x1a: {  	p0 =	sne.s32 s13, $0x1;
	_ =	swait.ge [sflag:s3], $0x2000  }
.Ltmp0:
0x1b: {  	[sflag:s3] =	ssyncset.done $0x0;
	(pc) =	sbr.rel @!p0 .LBB2_2-.Ltmp0, $4  }
0x1c: {  	s12 =	sadd.s32 $0xA200, s12;
	[sflag:s3] =	ssyncadd.s32 $0xFFFFE000  }
0x1d: {  	[hbm4b:s12+s2] =	stream.linear.scatter [tilespmem:s9], [sflag:$0x2], $0x2000, $0x38;
	[tilespmem:$0x4400] =	vst v63  }
0x1e: {  	_ =	swait.ge [sflag:s3], $0x2000  }
0x1f: {  	s13 =	sadd.s32 $0xFFFFFFFF, s13;
	[sflag:s3] =	ssyncset.done $0x0  }
.LBB2_1:
0x20: {  	p0 =	sne.s32 s13, $0x1;
	s13 =	sadd.s32 $0xFFFFFFFF, s13;
	[sflag:s3] =	ssyncadd.s32 $0xFFFFE000  }
0x21: {  	[tilespmem:s2], [sflag:$0x2] =	stream.linear.gather [hbm4b:s4+s2], $0x200, $0x38;
	[tilespmem:$0x4400] =	vst v63  }
0x22: {  	_ =	swait.ge [sflag:s3], $0x200  }
0x23: {  	[sflag:s3] =	ssyncset.done $0x0  }
0x24: {  	[sflag:s3] =	ssyncadd.s32 $0xFFFFFE00  }
0x25: {  	[tilespmem:s6], [sflag:$0x2] =	stream.linear.gather [hbm4b:s5+s2], $0x200, $0x38;
	[tilespmem:$0x4400] =	vst v63  }
0x26: {  	_ =	swait.ge [sflag:s3], $0x200  }
0x27: {  	[sflag:s3] =	ssyncset.done $0x0  }
0x28: {  	[sflag:s3] =	ssyncadd.s32 $0xFFFFFE00  }
0x29: {  	[tilespmem:s8], [sflag:$0x1] =	stream.indirect.gather [hbm4b:s7+s6], $0x10, s2, s6, $0xb8;
	[tilespmem:$0x4400] =	vst v63  }
0x2a: {  	_ = 	snop  }
0x2b: {  	[tilespmem:s9], [sflag:$0x1] =	stream.indirect.gather [hbm4b:s7+s6], $0x10, s6, s6, $0xb8;
	[tilespmem:$0x4400] =	vst v63  }
0x2c: {  	_ =	swait.ge [sflag:s10], $0x2000  }
0x2d: {  	[sflag:s10] =	ssyncset.done $0x0  }
0x2e: {  	[sflag:s10] =	ssyncadd.s32 $0xFFFFE000  }
0x2f: {  	_ =	swait.ge [sflag:s10], $0x2000  }
0x30: {  	[sflag:s10] =	ssyncset.done $0x0  }
0x31: {  	[sflag:s10] =	ssyncadd.s32 $0xFFFFE000  }
0x32: {  	[hbm4b:s11+s2] =	stream.linear.scatter [tilespmem:s8], [sflag:$0x2], $0x2000, $0x38;
	[tilespmem:$0x4400] =	vst v63  }
0x33: {  	_ =	swait.ge [sflag:s3], $0x2000  }
.Ltmp1:
0x34: {  	[sflag:s3] =	ssyncset.done $0x0;
	(pc) =	sbr.rel @p0 .LBB2_1-.Ltmp1, $4  }
0x35: {  	[sflag:s3] =	ssyncadd.s32 $0xFFFFE000  }
0x36: {  	[hbm4b:s12+s2] =	stream.linear.scatter [tilespmem:s9], [sflag:$0x2], $0x2000, $0x38;
	[tilespmem:$0x4400] =	vst v63  }
0x37: {  	_ =	swait.ge [sflag:s3], $0x2000  }
0x38: {  	[sflag:s3] =	ssyncset.done $0x0  }
.LBB2_2:
0x39: {  	[sflag:s3] =	ssyncadd.s32 $0xFFFFE000  }
0x3a: {  	_ =	sfence.sel $0x180000  }
0x3b: {  	[bflag:$0x0] =	sbarrier.arrive $0xFFFF  }
0x3c: {  	p0 =	sne.s32 s0, $0x0;
	_ =	strace $0x90000047  }
0x3d: {  	s0 =	sadd.s32 @!p0 $0x100000, s1;
	[bflag:$0x2] =	sbarrier.arrive $0xFFFF  }
0x3e: {  	[sflag:s0] =	ssyncadd.tile.s32 @!p0 $0x1;
	_ =	shalt  }
.Lfunc_end2:
_tile_overlayer_lowered:
.L_overlay_start_2:
0x3f: {  	(tag) =	ssettag $0x2  }
0x40: {  	s0 =	rddreg [dreg:$0x0];
	s2 =	stileid.u32  }
0x41: {  	s1 =	rddreg [dreg:$0x1];
	p0 =	sne.s32 s2, $0x0  }
0x42: {  	s3 =	rddreg [dreg:$0x2];
	[bflag:$0x3] =	sbarrier.arrive $0xFFFF;
	s2 =	simm.s32 @!p0 $0x1C02  }
0x43: {  	[timem:s3], [sflag:s2] =	dma.local @!p0 [hbm:s0], s1  }
0x44: {  	s0 =	simm.s32 @!p0 $0x2  }
0x45: {  	_ =	swait.ge @!p0 [sflag:s0], s1  }
0x46: {  	s1 =	ssub.s32 @!p0 $0x0, s1;
	[sflag:s0] =	ssyncset.done @!p0 $0x0  }
0x47: {  	[sflag:s0] =	ssyncadd.s32 @!p0 s1  }
0x48: {  	[bflag:$0x3] =	sbarrier.arrive $0xFFFF  }
0x49: {  	_ =	shalt  }

</sc_bundles>
